<compile_context>
chip_gen: v7x
topology: tpu7x:2x2x1
jax: 0.10.2.dev20260603
libtpu: 0.0.44.dev20260713+nightly
codegen_flags: <defaults>
</compile_context>

<pallas_src>
import functools

import jax
import jax.numpy as jnp
from jax import lax
from jax.experimental import pallas as pl
from jax.experimental.pallas import tpu as pltpu
from jax.experimental.pallas import tpu_sc as plsc

B, H, W, C = 16, 384, 384, 3
N = B * H * W
NTILES = 32
PER_TILE = N // NTILES
SUB = 8192
NSUB = PER_TILE // SUB


def _sampler_body(coords_hbm, imgs_hbm, out_hbm, cbuf,
                  ib00, ib01, ib10, ib11, gb00, gb01, gb10, gb11,
                  fbx, fby, obuf, sem):
    wid = lax.axis_index("s") * 2 + lax.axis_index("c")
    ebase = wid * PER_TILE
    bflat = (wid // 2) * (H * W)

    def subchunk(s, carry):
        e0 = pl.multiple_of(ebase + s * SUB, SUB)
        pltpu.sync_copy(coords_hbm.at[pl.ds(e0 * 2, 2 * SUB)], cbuf)

        def compute(i, carry2):
            iota = lax.iota(jnp.int32, 16)
            xsel = i * 32 + iota * 2
            xv = plsc.load_gather(cbuf, [xsel])
            yv = plsc.load_gather(cbuf, [xsel + 1])
            x0 = xv.astype(jnp.int32)
            y0 = yv.astype(jnp.int32)
            fx = xv - x0.astype(jnp.float32)
            fy = yv - y0.astype(jnp.float32)
            x0c = jnp.minimum(x0, W - 1)
            x1c = jnp.minimum(x0 + 1, W - 1)
            r0 = bflat + jnp.minimum(y0, H - 1) * W
            r1 = bflat + jnp.minimum(y0 + 1, H - 1) * W
            c = pl.multiple_of(i * 16, 16)
            ib00[pl.ds(c, 16)] = r0 + x0c
            ib01[pl.ds(c, 16)] = r1 + x0c
            ib10[pl.ds(c, 16)] = r0 + x1c
            ib11[pl.ds(c, 16)] = r1 + x1c
            fbx[pl.ds(c, 16)] = fx
            fby[pl.ds(c, 16)] = fy
            return carry2

        lax.fori_loop(0, SUB // 16, compute, 0)

        pltpu.async_copy(imgs_hbm.at[ib00], gb00, sem)
        pltpu.async_copy(imgs_hbm.at[ib01], gb01, sem)
        pltpu.async_copy(imgs_hbm.at[ib10], gb10, sem)
        pltpu.async_copy(imgs_hbm.at[ib11], gb11, sem)
        pltpu.make_async_copy(imgs_hbm.at[ib00], gb00, sem).wait()
        pltpu.make_async_copy(imgs_hbm.at[ib01], gb01, sem).wait()
        pltpu.make_async_copy(imgs_hbm.at[ib10], gb10, sem).wait()
        pltpu.make_async_copy(imgs_hbm.at[ib11], gb11, sem).wait()

        def combine(i, carry2):
            c = pl.multiple_of(i * 16, 16)
            g00 = gb00[pl.ds(c, 16)]
            g01 = gb01[pl.ds(c, 16)]
            g10 = gb10[pl.ds(c, 16)]
            g11 = gb11[pl.ds(c, 16)]
            fx = fbx[pl.ds(c, 16)]
            fy = fby[pl.ds(c, 16)]
            wx0 = 1.0 - fx
            wy0 = 1.0 - fy
            res = (wx0 * wy0) * g00 + (wx0 * fy) * g01
            res = res + ((fx * wy0) * g10 + (fx * fy) * g11)
            obuf[pl.ds(c, 16)] = res
            return carry2

        lax.fori_loop(0, SUB // 16, combine, 0)
        pltpu.sync_copy(obuf, out_hbm.at[pl.ds(e0, SUB)])
        return carry

    lax.fori_loop(0, NSUB, subchunk, 0)


def kernel(imgs, coords):
    flat = imgs.reshape(-1)
    cflat = coords.reshape(-1)
    mesh = plsc.VectorSubcoreMesh(core_axis_name="c", subcore_axis_name="s")
    run = functools.partial(
        pl.kernel,
        mesh=mesh,
        compiler_params=pltpu.CompilerParams(needs_layout_passes=False),
        out_type=jax.ShapeDtypeStruct((N,), jnp.float32),
        scratch_types=[
            pltpu.VMEM((2 * SUB,), jnp.float32),
            pltpu.VMEM((SUB,), jnp.int32),
            pltpu.VMEM((SUB,), jnp.int32),
            pltpu.VMEM((SUB,), jnp.int32),
            pltpu.VMEM((SUB,), jnp.int32),
            pltpu.VMEM((SUB,), jnp.float32),
            pltpu.VMEM((SUB,), jnp.float32),
            pltpu.VMEM((SUB,), jnp.float32),
            pltpu.VMEM((SUB,), jnp.float32),
            pltpu.VMEM((SUB,), jnp.float32),
            pltpu.VMEM((SUB,), jnp.float32),
            pltpu.VMEM((SUB,), jnp.float32),
            pltpu.SemaphoreType.DMA,
        ],
    )(_sampler_body)
    out = run(cflat, flat)
    return out.reshape(B, H, W, 1)

# --- scband reference (transcript-rebuilt; emitter-appended) ---
"""Pipeline reference for scband-bilinear-sampler-17343077941699 (READ-ONLY COPY).

The authoritative reference and input builder live on the scoring server;
editing this copy changes nothing except your own understanding.
"""

import jax, jax.numpy as jnp
import numpy as np


def setup_inputs(seed: int = 0) -> dict:
    key = jax.random.key(seed)
    k1, k2 = jax.random.split(key)
    imgs = jax.random.normal(k1, (16, 384, 384, 3), dtype=jnp.float32)
    # coords in [0, W-1) so bilinear sampling covers the full source image
    coords = jax.random.uniform(k2, (16, 384, 384, 2), dtype=jnp.float32) * 383.0
    return {"imgs": imgs, "coords": coords}


def reference(imgs, coords):
    # Faithful translation of BilinearSampler.call (keras.ops -> jnp).
    coords_x = coords[..., 0:1]
    coords_y = coords[..., 1:2]
    B, Hs, Ws, C = imgs.shape
    Bt, Ht, Wt, _ = coords.shape
    coords_x = coords_x.astype(jnp.float32)
    coords_y = coords_y.astype(jnp.float32)
    x0 = jnp.floor(coords_x)
    x1 = x0 + 1.0
    y0 = jnp.floor(coords_y)
    y1 = y0 + 1.0
    y_max = jnp.float32(Hs - 1)
    x_max = jnp.float32(Ws - 1)
    wt_x0 = x1 - coords_x
    wt_x1 = coords_x - x0
    wt_y0 = y1 - coords_y
    wt_y1 = coords_y - y0
    x0_safe = jnp.clip(x0, 0.0, x_max)
    y0_safe = jnp.clip(y0, 0.0, y_max)
    x1_safe = jnp.clip(x1, 0.0, x_max)
    y1_safe = jnp.clip(y1, 0.0, y_max)
    dim2 = jnp.float32(Ws)
    dim1 = jnp.float32(Ws * Hs)
    # _repeat(arange(B)*dim1, Ht*Wt) == jnp.repeat
    base = jnp.reshape(
        jnp.repeat(jnp.arange(Bt, dtype=jnp.float32) * dim1, Ht * Wt),
        (Bt, Ht, Wt, 1),
    )
    base_y0 = base + y0_safe * dim2
    base_y1 = base + y1_safe * dim2
    idx00 = (x0_safe + base_y0).astype(jnp.int32)
    idx01 = (x0_safe + base_y1).astype(jnp.int32)
    idx10 = (x1_safe + base_y0).astype(jnp.int32)
    idx11 = (x1_safe + base_y1).astype(jnp.int32)
    # keras.ops.take with axis=None gathers from the flattened imgs tensor
    flat = imgs.reshape(-1)
    im00 = jnp.take(flat, idx00)
    im01 = jnp.take(flat, idx01)
    im10 = jnp.take(flat, idx10)
    im11 = jnp.take(flat, idx11)
    w00 = wt_x0 * wt_y0
    w01 = wt_x0 * wt_y1
    w10 = wt_x1 * wt_y0
    w11 = wt_x1 * wt_y1
    output = (w00 * im00 + w01 * im01) + (w10 * im10 + w11 * im11)
    return output

if __name__ == "__main__":
    import jax
    _d = setup_inputs()
    print(jax.jit(kernel)(*tuple(_d.values())))

</pallas_src>

<mosaic_0001>
#map = affine_map<(d0, d1) -> (0)>
module attributes {stable_mosaic.version = 14 : i64} {
  func.func @_sampler_body(%arg0: i32, %arg1: i32, %arg2: memref<4718592xf32, #tpu.memory_space<hbm>>, %arg3: memref<7077888xf32, #tpu.memory_space<hbm>>, %arg4: memref<2359296xf32, #tpu.memory_space<hbm>>, %arg5: memref<16384xf32, #tpu.memory_space<vmem>>, %arg6: memref<8192xi32, #tpu.memory_space<vmem>>, %arg7: memref<8192xi32, #tpu.memory_space<vmem>>, %arg8: memref<8192xi32, #tpu.memory_space<vmem>>, %arg9: memref<8192xi32, #tpu.memory_space<vmem>>, %arg10: memref<8192xf32, #tpu.memory_space<vmem>>, %arg11: memref<8192xf32, #tpu.memory_space<vmem>>, %arg12: memref<8192xf32, #tpu.memory_space<vmem>>, %arg13: memref<8192xf32, #tpu.memory_space<vmem>>, %arg14: memref<8192xf32, #tpu.memory_space<vmem>>, %arg15: memref<8192xf32, #tpu.memory_space<vmem>>, %arg16: memref<8192xf32, #tpu.memory_space<vmem>>, %arg17: memref<!tpu.dma_semaphore, #tpu.memory_space<semaphore_mem>>) attributes {dimension_semantics = [#tpu.dimension_semantics<core_parallel>, #tpu.dimension_semantics<subcore_parallel>], iteration_bounds = array<i64: 2, 16>, scalar_prefetch = 0 : i64, scratch_operands = 13 : i64, tpu.core_type = #tpu.core_type<sc_vector_subcore>, window_params = [{transform_indices = #map}, {transform_indices = #map}, {transform_indices = #map}]} {
    %mul3A = arith.constant 2 : i32
    %mul3A_0 = arith.muli %arg1, %mul3A : i32
    %add3A = arith.addi %mul3A_0, %arg0 : i32
    %mul3A_1 = arith.constant 73728 : i32
    %mul3A_2 = arith.muli %add3A, %mul3A_1 : i32
    %jit3A = arith.constant 2 : i32
    %div3A = arith.divsi %add3A, %jit3A : i32
    %sign3A = arith.constant 0 : i32
    %sign3A_3 = arith.cmpi sgt, %add3A, %sign3A : i32
    %sign3A_4 = arith.extui %sign3A_3 : i1 to i32
    %sign3A_5 = arith.constant 0 : i32
    %sign3A_6 = arith.cmpi slt, %add3A, %sign3A_5 : i32
    %sign3A_7 = arith.extui %sign3A_6 : i1 to i32
    %sign3A_8 = arith.subi %sign3A_4, %sign3A_7 : i32
    %sign3A_9 = arith.constant 0 : i32
    %sign3A_10 = arith.cmpi sgt, %jit3A, %sign3A_9 : i32
    %sign3A_11 = arith.extui %sign3A_10 : i1 to i32
    %sign3A_12 = arith.constant 0 : i32
    %sign3A_13 = arith.cmpi slt, %jit3A, %sign3A_12 : i32
    %sign3A_14 = arith.extui %sign3A_13 : i1 to i32
    %sign3A_15 = arith.subi %sign3A_11, %sign3A_14 : i32
    %ne3A = arith.cmpi ne, %sign3A_8, %sign3A_15 : i32
    %rem3A = arith.remsi %add3A, %jit3A : i32
    %ne3A_16 = arith.constant 0 : i32
    %ne3A_17 = arith.cmpi ne, %rem3A, %ne3A_16 : i32
    %and3A = arith.andi %ne3A, %ne3A_17 : i1
    %sub3A = arith.constant 1 : i32
    %sub3A_18 = arith.subi %div3A, %sub3A : i32
    %select_n3A = arith.select %and3A, %sub3A_18, %div3A : i32
    %mul3A_19 = arith.constant 147456 : i32
    %mul3A_20 = arith.muli %select_n3A, %mul3A_19 : i32
    %scan3A = arith.constant 0 : i32
    %scan3A_21 = arith.constant 0 : i32
    %scan3A_22 = arith.constant 9 : i32
    %scan3A_23 = arith.addi %scan3A_21, %scan3A_22 : i32
    %scan3A_24 = arith.constant 1 : i32
    scf.for %scan3A_26 = %scan3A_21 to %scan3A_23 step %scan3A_24  : i32 {
      %mul3A_27 = arith.constant 8192 : i32
      %mul3A_28 = arith.muli %scan3A_26, %mul3A_27 : i32
      %add3A_29 = arith.addi %mul3A_2, %mul3A_28 : i32
      %multiple_of3A = tpu.assume_multiple %add3A_29, 8192 : i32
      %mul3A_30 = arith.constant 2 : i32
      %mul3A_31 = arith.muli %multiple_of3A, %mul3A_30 : i32
      "tpu.region"() ({
        %run_scoped3A = tpu.sem_alloc : memref<!tpu.dma_semaphore, #tpu.memory_space<semaphore_mem>>
        %dma_start3A_58 = tpu.memref_slice %arg2[%mul3A_31] : memref<4718592xf32, #tpu.memory_space<hbm>> -> memref<16384xf32, #tpu.memory_space<hbm>>
        %dma_start3A_59 = tpu.memref_slice %arg2[%mul3A_31] : memref<4718592xf32, #tpu.memory_space<hbm>> -> memref<16384xf32, #tpu.memory_space<hbm>>
        tpu.enqueue_dma source(%dma_start3A_59 : memref<16384xf32, #tpu.memory_space<hbm>>) target(%arg5 : memref<16384xf32, #tpu.memory_space<vmem>>) target_semaphore(%run_scoped3A : memref<!tpu.dma_semaphore, #tpu.memory_space<semaphore_mem>>)
        %dma_wait3A_60 = tpu.memref_slice %arg2[%mul3A_31] : memref<4718592xf32, #tpu.memory_space<hbm>> -> memref<16384xf32, #tpu.memory_space<hbm>>
        %dma_wait3A_61 = tpu.memref_slice %arg2[%mul3A_31] : memref<4718592xf32, #tpu.memory_space<hbm>> -> memref<16384xf32, #tpu.memory_space<hbm>>
        tpu.wait_dma2 semaphore(%run_scoped3A : memref<!tpu.dma_semaphore, #tpu.memory_space<semaphore_mem>>) src(%dma_wait3A_61 : memref<16384xf32, #tpu.memory_space<hbm>>) dst(%arg5 : memref<16384xf32, #tpu.memory_space<vmem>>)
        tpu.yield
      }) : () -> ()
      %scan3A_32 = arith.constant 0 : i32
      %scan3A_33 = arith.constant 0 : i32
      %scan3A_34 = arith.constant 512 : i32
      %scan3A_35 = arith.addi %scan3A_33, %scan3A_34 : i32
      %scan3A_36 = arith.constant 1 : i32
      scf.for %scan3A_58 = %scan3A_33 to %scan3A_35 step %scan3A_36  : i32 {
        %iota3A = tpu.iota {dimensions = array<i32: 0>} : vector<16xi32>
        %mul3A_59 = arith.constant 32 : i32
        %mul3A_60 = arith.muli %scan3A_58, %mul3A_59 : i32
        %mul3A_61 = arith.constant 2 : i32
        %mul3A_62 = vector.broadcast %mul3A_61 : i32 to vector<16xi32>
        %mul3A_63 = arith.muli %iota3A, %mul3A_62 : vector<16xi32>
        %add3A_64 = vector.broadcast %mul3A_60 : i32 to vector<16xi32>
        %add3A_65 = arith.addi %add3A_64, %mul3A_63 : vector<16xi32>
        %gather3A = tpu.vector_load_idx %arg5[%add3A_65] : memref<16384xf32, #tpu.memory_space<vmem>>[vector<16xi32>], vector<16xf32>,
        %add3A_66 = arith.constant 1 : i32
        %add3A_67 = vector.broadcast %add3A_66 : i32 to vector<16xi32>
        %add3A_68 = arith.addi %add3A_65, %add3A_67 : vector<16xi32>
        %gather3A_69 = tpu.vector_load_idx %arg5[%add3A_68] : memref<16384xf32, #tpu.memory_space<vmem>>[vector<16xi32>], vector<16xf32>,
        %convert_element_type3A = arith.fptosi %gather3A : vector<16xf32> to vector<16xi32>
        %convert_element_type3A_70 = arith.fptosi %gather3A_69 : vector<16xf32> to vector<16xi32>
        %convert_element_type3A_71 = arith.sitofp %convert_element_type3A : vector<16xi32> to vector<16xf32>
        %sub3A_72 = arith.subf %gather3A, %convert_element_type3A_71 : vector<16xf32>
        %convert_element_type3A_73 = arith.sitofp %convert_element_type3A_70 : vector<16xi32> to vector<16xf32>
        %sub3A_74 = arith.subf %gather3A_69, %convert_element_type3A_73 : vector<16xf32>
        %min3A = arith.constant 383 : i32
        %min3A_75 = vector.broadcast %min3A : i32 to vector<16xi32>
        %min3A_76 = arith.minsi %convert_element_type3A, %min3A_75 : vector<16xi32>
        %add3A_77 = arith.constant 1 : i32
        %add3A_78 = vector.broadcast %add3A_77 : i32 to vector<16xi32>
        %add3A_79 = arith.addi %convert_element_type3A, %add3A_78 : vector<16xi32>
        %min3A_80 = arith.constant 383 : i32
        %min3A_81 = vector.broadcast %min3A_80 : i32 to vector<16xi32>
        %min3A_82 = arith.minsi %add3A_79, %min3A_81 : vector<16xi32>
        %min3A_83 = arith.constant 383 : i32
        %min3A_84 = vector.broadcast %min3A_83 : i32 to vector<16xi32>
        %min3A_85 = arith.minsi %convert_element_type3A_70, %min3A_84 : vector<16xi32>
        %mul3A_86 = arith.constant 384 : i32
        %mul3A_87 = vector.broadcast %mul3A_86 : i32 to vector<16xi32>
        %mul3A_88 = arith.muli %min3A_85, %mul3A_87 : vector<16xi32>
        %add3A_89 = vector.broadcast %mul3A_20 : i32 to vector<16xi32>
        %add3A_90 = arith.addi %add3A_89, %mul3A_88 : vector<16xi32>
        %add3A_91 = arith.constant 1 : i32
        %add3A_92 = vector.broadcast %add3A_91 : i32 to vector<16xi32>
        %add3A_93 = arith.addi %convert_element_type3A_70, %add3A_92 : vector<16xi32>
        %min3A_94 = arith.constant 383 : i32
        %min3A_95 = vector.broadcast %min3A_94 : i32 to vector<16xi32>
        %min3A_96 = arith.minsi %add3A_93, %min3A_95 : vector<16xi32>
        %mul3A_97 = arith.constant 384 : i32
        %mul3A_98 = vector.broadcast %mul3A_97 : i32 to vector<16xi32>
        %mul3A_99 = arith.muli %min3A_96, %mul3A_98 : vector<16xi32>
        %add3A_100 = vector.broadcast %mul3A_20 : i32 to vector<16xi32>
        %add3A_101 = arith.addi %add3A_100, %mul3A_99 : vector<16xi32>
        %mul3A_102 = arith.constant 16 : i32
        %mul3A_103 = arith.muli %scan3A_58, %mul3A_102 : i32
        %multiple_of3A_104 = tpu.assume_multiple %mul3A_103, 16 : i32
        %add3A_105 = arith.addi %add3A_90, %min3A_76 : vector<16xi32>
        %swap3A = arith.index_cast %multiple_of3A_104 : i32 to index
        %swap3A_106 = tpu.vector_load %arg6[%swap3A] {strides = array<i32>} : memref<8192xi32, #tpu.memory_space<vmem>>, vector<16xi32>,
        tpu.vector_store %arg6[%swap3A], %add3A_105 {strides = array<i32>} : memref<8192xi32, #tpu.memory_space<vmem>>, vector<16xi32>,
        %add3A_107 = arith.addi %add3A_101, %min3A_76 : vector<16xi32>
        %swap3A_108 = arith.index_cast %multiple_of3A_104 : i32 to index
        %swap3A_109 = tpu.vector_load %arg7[%swap3A_108] {strides = array<i32>} : memref<8192xi32, #tpu.memory_space<vmem>>, vector<16xi32>,
        tpu.vector_store %arg7[%swap3A_108], %add3A_107 {strides = array<i32>} : memref<8192xi32, #tpu.memory_space<vmem>>, vector<16xi32>,
        %add3A_110 = arith.addi %add3A_90, %min3A_82 : vector<16xi32>
        %swap3A_111 = arith.index_cast %multiple_of3A_104 : i32 to index
        %swap3A_112 = tpu.vector_load %arg8[%swap3A_111] {strides = array<i32>} : memref<8192xi32, #tpu.memory_space<vmem>>, vector<16xi32>,
        tpu.vector_store %arg8[%swap3A_111], %add3A_110 {strides = array<i32>} : memref<8192xi32, #tpu.memory_space<vmem>>, vector<16xi32>,
        %add3A_113 = arith.addi %add3A_101, %min3A_82 : vector<16xi32>
        %swap3A_114 = arith.index_cast %multiple_of3A_104 : i32 to index
        %swap3A_115 = tpu.vector_load %arg9[%swap3A_114] {strides = array<i32>} : memref<8192xi32, #tpu.memory_space<vmem>>, vector<16xi32>,
        tpu.vector_store %arg9[%swap3A_114], %add3A_113 {strides = array<i32>} : memref<8192xi32, #tpu.memory_space<vmem>>, vector<16xi32>,
        %swap3A_116 = arith.index_cast %multiple_of3A_104 : i32 to index
        %swap3A_117 = tpu.vector_load %arg14[%swap3A_116] {strides = array<i32>} : memref<8192xf32, #tpu.memory_space<vmem>>, vector<16xf32>,
        tpu.vector_store %arg14[%swap3A_116], %sub3A_72 {strides = array<i32>} : memref<8192xf32, #tpu.memory_space<vmem>>, vector<16xf32>,
        %swap3A_118 = arith.index_cast %multiple_of3A_104 : i32 to index
        %swap3A_119 = tpu.vector_load %arg15[%swap3A_118] {strides = array<i32>} : memref<8192xf32, #tpu.memory_space<vmem>>, vector<16xf32>,
        tpu.vector_store %arg15[%swap3A_118], %sub3A_74 {strides = array<i32>} : memref<8192xf32, #tpu.memory_space<vmem>>, vector<16xf32>,
      }
      %scan3A_37 = arith.constant 512 : i32
      %dma_start3A = arith.constant 0 : i32
      %dma_start3A_38 = tpu.memref_slice %arg3[%dma_start3A] : memref<7077888xf32, #tpu.memory_space<hbm>> -> memref<7077888xf32, #tpu.memory_space<hbm>>
      tpu.enqueue_indirect_dma source(%dma_start3A_38 : memref<7077888xf32, #tpu.memory_space<hbm>>) target(%arg10 : memref<8192xf32, #tpu.memory_space<vmem>>) offsets(%arg6 : memref<8192xi32, #tpu.memory_space<vmem>>) semaphore(%arg17 : memref<!tpu.dma_semaphore, #tpu.memory_space<semaphore_mem>>)
      %dma_start3A_39 = arith.constant 0 : i32
      %dma_start3A_40 = tpu.memref_slice %arg3[%dma_start3A_39] : memref<7077888xf32, #tpu.memory_space<hbm>> -> memref<7077888xf32, #tpu.memory_space<hbm>>
      tpu.enqueue_indirect_dma source(%dma_start3A_40 : memref<7077888xf32, #tpu.memory_space<hbm>>) target(%arg11 : memref<8192xf32, #tpu.memory_space<vmem>>) offsets(%arg7 : memref<8192xi32, #tpu.memory_space<vmem>>) semaphore(%arg17 : memref<!tpu.dma_semaphore, #tpu.memory_space<semaphore_mem>>)
      %dma_start3A_41 = arith.constant 0 : i32
      %dma_start3A_42 = tpu.memref_slice %arg3[%dma_start3A_41] : memref<7077888xf32, #tpu.memory_space<hbm>> -> memref<7077888xf32, #tpu.memory_space<hbm>>
      tpu.enqueue_indirect_dma source(%dma_start3A_42 : memref<7077888xf32, #tpu.memory_space<hbm>>) target(%arg12 : memref<8192xf32, #tpu.memory_space<vmem>>) offsets(%arg8 : memref<8192xi32, #tpu.memory_space<vmem>>) semaphore(%arg17 : memref<!tpu.dma_semaphore, #tpu.memory_space<semaphore_mem>>)
      %dma_start3A_43 = arith.constant 0 : i32
      %dma_start3A_44 = tpu.memref_slice %arg3[%dma_start3A_43] : memref<7077888xf32, #tpu.memory_space<hbm>> -> memref<7077888xf32, #tpu.memory_space<hbm>>
      tpu.enqueue_indirect_dma source(%dma_start3A_44 : memref<7077888xf32, #tpu.memory_space<hbm>>) target(%arg13 : memref<8192xf32, #tpu.memory_space<vmem>>) offsets(%arg9 : memref<8192xi32, #tpu.memory_space<vmem>>) semaphore(%arg17 : memref<!tpu.dma_semaphore, #tpu.memory_space<semaphore_mem>>)
      %dma_wait3A = arith.constant 0 : i32
      %dma_wait3A_45 = tpu.memref_slice %arg3[%dma_wait3A] : memref<7077888xf32, #tpu.memory_space<hbm>> -> memref<7077888xf32, #tpu.memory_space<hbm>>
      tpu.wait_indirect_dma semaphore(%arg17 : memref<!tpu.dma_semaphore, #tpu.memory_space<semaphore_mem>>) src(%dma_wait3A_45 : memref<7077888xf32, #tpu.memory_space<hbm>>) dst(%arg10 : memref<8192xf32, #tpu.memory_space<vmem>>)
      %dma_wait3A_46 = arith.constant 0 : i32
      %dma_wait3A_47 = tpu.memref_slice %arg3[%dma_wait3A_46] : memref<7077888xf32, #tpu.memory_space<hbm>> -> memref<7077888xf32, #tpu.memory_space<hbm>>
      tpu.wait_indirect_dma semaphore(%arg17 : memref<!tpu.dma_semaphore, #tpu.memory_space<semaphore_mem>>) src(%dma_wait3A_47 : memref<7077888xf32, #tpu.memory_space<hbm>>) dst(%arg11 : memref<8192xf32, #tpu.memory_space<vmem>>)
      %dma_wait3A_48 = arith.constant 0 : i32
      %dma_wait3A_49 = tpu.memref_slice %arg3[%dma_wait3A_48] : memref<7077888xf32, #tpu.memory_space<hbm>> -> memref<7077888xf32, #tpu.memory_space<hbm>>
      tpu.wait_indirect_dma semaphore(%arg17 : memref<!tpu.dma_semaphore, #tpu.memory_space<semaphore_mem>>) src(%dma_wait3A_49 : memref<7077888xf32, #tpu.memory_space<hbm>>) dst(%arg12 : memref<8192xf32, #tpu.memory_space<vmem>>)
      %dma_wait3A_50 = arith.constant 0 : i32
      %dma_wait3A_51 = tpu.memref_slice %arg3[%dma_wait3A_50] : memref<7077888xf32, #tpu.memory_space<hbm>> -> memref<7077888xf32, #tpu.memory_space<hbm>>
      tpu.wait_indirect_dma semaphore(%arg17 : memref<!tpu.dma_semaphore, #tpu.memory_space<semaphore_mem>>) src(%dma_wait3A_51 : memref<7077888xf32, #tpu.memory_space<hbm>>) dst(%arg13 : memref<8192xf32, #tpu.memory_space<vmem>>)
      %scan3A_52 = arith.constant 0 : i32
      %scan3A_53 = arith.constant 0 : i32
      %scan3A_54 = arith.constant 512 : i32
      %scan3A_55 = arith.addi %scan3A_53, %scan3A_54 : i32
      %scan3A_56 = arith.constant 1 : i32
      scf.for %scan3A_58 = %scan3A_53 to %scan3A_55 step %scan3A_56  : i32 {
        %mul3A_59 = arith.constant 16 : i32
        %mul3A_60 = arith.muli %scan3A_58, %mul3A_59 : i32
        %multiple_of3A_61 = tpu.assume_multiple %mul3A_60, 16 : i32
        %get3A = arith.index_cast %multiple_of3A_61 : i32 to index
        %get3A_62 = tpu.vector_load %arg10[%get3A] {strides = array<i32>} : memref<8192xf32, #tpu.memory_space<vmem>>, vector<16xf32>,
        %get3A_63 = arith.index_cast %multiple_of3A_61 : i32 to index
        %get3A_64 = tpu.vector_load %arg11[%get3A_63] {strides = array<i32>} : memref<8192xf32, #tpu.memory_space<vmem>>, vector<16xf32>,
        %get3A_65 = arith.index_cast %multiple_of3A_61 : i32 to index
        %get3A_66 = tpu.vector_load %arg12[%get3A_65] {strides = array<i32>} : memref<8192xf32, #tpu.memory_space<vmem>>, vector<16xf32>,
        %get3A_67 = arith.index_cast %multiple_of3A_61 : i32 to index
        %get3A_68 = tpu.vector_load %arg13[%get3A_67] {strides = array<i32>} : memref<8192xf32, #tpu.memory_space<vmem>>, vector<16xf32>,
        %get3A_69 = arith.index_cast %multiple_of3A_61 : i32 to index
        %get3A_70 = tpu.vector_load %arg14[%get3A_69] {strides = array<i32>} : memref<8192xf32, #tpu.memory_space<vmem>>, vector<16xf32>,
        %get3A_71 = arith.index_cast %multiple_of3A_61 : i32 to index
        %get3A_72 = tpu.vector_load %arg15[%get3A_71] {strides = array<i32>} : memref<8192xf32, #tpu.memory_space<vmem>>, vector<16xf32>,
        %sub3A_73 = arith.constant 1.000000e+00 : f32
        %sub3A_74 = vector.broadcast %sub3A_73 : f32 to vector<16xf32>
        %sub3A_75 = arith.subf %sub3A_74, %get3A_70 : vector<16xf32>
        %sub3A_76 = arith.constant 1.000000e+00 : f32
        %sub3A_77 = vector.broadcast %sub3A_76 : f32 to vector<16xf32>
        %sub3A_78 = arith.subf %sub3A_77, %get3A_72 : vector<16xf32>
        %mul3A_79 = arith.mulf %sub3A_75, %sub3A_78 : vector<16xf32>
        %mul3A_80 = arith.mulf %mul3A_79, %get3A_62 : vector<16xf32>
        %mul3A_81 = arith.mulf %sub3A_75, %get3A_72 : vector<16xf32>
        %mul3A_82 = arith.mulf %mul3A_81, %get3A_64 : vector<16xf32>
        %add3A_83 = arith.addf %mul3A_80, %mul3A_82 : vector<16xf32>
        %mul3A_84 = arith.mulf %get3A_70, %sub3A_78 : vector<16xf32>
        %mul3A_85 = arith.mulf %mul3A_84, %get3A_66 : vector<16xf32>
        %mul3A_86 = arith.mulf %get3A_70, %get3A_72 : vector<16xf32>
        %mul3A_87 = arith.mulf %mul3A_86, %get3A_68 : vector<16xf32>
        %add3A_88 = arith.addf %mul3A_85, %mul3A_87 : vector<16xf32>
        %add3A_89 = arith.addf %add3A_83, %add3A_88 : vector<16xf32>
        %swap3A = arith.index_cast %multiple_of3A_61 : i32 to index
        %swap3A_90 = tpu.vector_load %arg16[%swap3A] {strides = array<i32>} : memref<8192xf32, #tpu.memory_space<vmem>>, vector<16xf32>,
        tpu.vector_store %arg16[%swap3A], %add3A_89 {strides = array<i32>} : memref<8192xf32, #tpu.memory_space<vmem>>, vector<16xf32>,
      }
      %scan3A_57 = arith.constant 512 : i32
      "tpu.region"() ({
        %run_scoped3A = tpu.sem_alloc : memref<!tpu.dma_semaphore, #tpu.memory_space<semaphore_mem>>
        %dma_start3A_58 = tpu.memref_slice %arg4[%multiple_of3A] : memref<2359296xf32, #tpu.memory_space<hbm>> -> memref<8192xf32, #tpu.memory_space<hbm>>
        %dma_start3A_59 = tpu.memref_slice %arg4[%multiple_of3A] : memref<2359296xf32, #tpu.memory_space<hbm>> -> memref<8192xf32, #tpu.memory_space<hbm>>
        tpu.enqueue_dma source(%arg16 : memref<8192xf32, #tpu.memory_space<vmem>>) target(%dma_start3A_59 : memref<8192xf32, #tpu.memory_space<hbm>>) target_semaphore(%run_scoped3A : memref<!tpu.dma_semaphore, #tpu.memory_space<semaphore_mem>>)
        %dma_wait3A_60 = tpu.memref_slice %arg4[%multiple_of3A] : memref<2359296xf32, #tpu.memory_space<hbm>> -> memref<8192xf32, #tpu.memory_space<hbm>>
        %dma_wait3A_61 = tpu.memref_slice %arg4[%multiple_of3A] : memref<2359296xf32, #tpu.memory_space<hbm>> -> memref<8192xf32, #tpu.memory_space<hbm>>
        tpu.wait_dma2 semaphore(%run_scoped3A : memref<!tpu.dma_semaphore, #tpu.memory_space<semaphore_mem>>) src(%arg16 : memref<8192xf32, #tpu.memory_space<vmem>>) dst(%dma_wait3A_61 : memref<8192xf32, #tpu.memory_space<hbm>>)
        tpu.yield
      }) : () -> ()
    }
    %scan3A_25 = arith.constant 9 : i32
    return
  }
}

</mosaic_0001>

<sc_bundles>
// kernel: kernel.3.cloned.1.call-start
scs
__scs_entry_jumppad:
0x0: {  	(pc) =	sbr.rel $0x88, $3  }
0x1: {  	(tag) =	ssettag $0x0;
	lr =	simm.s32 $0x1  }
0x2: {  	[smem:$0x3F9F] =	sst lr;
	_ =	strace $0xD0000000  }
0x3: {  	_ = 	snop  }
0x4: {  	_ = 	snop  }
0x5: {  	_ = 	snop  }
0x6: {  	_ = 	snop  }
0x7: {  	_ = 	snop  }
__scs_overlays_trampoline_lowered:
0x8: {  	[smem:$0x3FAE] =	sst s0  }
0x9: {  	[smem:$0x3FAF] =	sst s1  }
0xa: {  	[smem:$0x3FB0] =	sst s2  }
0xb: {  	[smem:$0x3FB1] =	sst s3  }
0xc: {  	[smem:$0x3FB2] =	sst s4  }
0xd: {  	[smem:$0x3FB3] =	sst s5  }
0xe: {  	[smem:$0x3FB4] =	sst s6  }
0xf: {  	[smem:$0x3FB5] =	sst s7  }
0x10: {  	[smem:$0x3FB6] =	sst s8  }
0x11: {  	[smem:$0x3FB7] =	sst s9;
	s0 =	simm.s32 @!p0 $0x0  }
0x12: {  	s1 =	sld [smem:$0x3F9D];
	s0 =	simm.s32 @p0 $0x1  }
0x13: {  	[smem:$0x3FB8] =	sst s0;
	s0 =	simm.s32 @!p1 $0x0  }
0x14: {  	s2 =	sld [smem:$0x3F9C];
	s0 =	simm.s32 @p1 $0x1  }
0x15: {  	[smem:$0x3FB9] =	sst s0;
	s0 =	simm.s32 @!p2 $0x0  }
0x16: {  	s3 =	sld [smem:$0x3FDB];
	s0 =	simm.s32 @p2 $0x1  }
0x17: {  	s4 =	simm.s32 $0x1BF5;
	[smem:$0x3FBB] =	sst s0  }
0x18: {  	s0 =	sld [smem:$0x3F9E];
	_ =	swait.ge [sflag:s4], $0x0  }
0x19: {  	s7 =	sld [smem:$0x3F9F]  }
0x1a: {  	s8 =	sadd.s32 $0xFFFFE003, lr  }
0x1b: {  	s9 =	sadd.s32 $0xFFFFFEF7, lr;
	s5 =	simm.s32 $0xFFFFFFFF;
	p2 =	slt.u32 s8, $0xFFFFF086  }
0x1c: {  	p1 =	slt.u32 s9, $0xF7A;
	s5 =	simm.s32 @!p2 $0x0  }
0x1d: {  	s5 =	simm.s32 @p1 $0x1;
	p0 =	seq.s32 s7, s2  }
0x1e: {  	s7 =	smul.u32 @!p0 $0xF7A, s2;
	p2 =	seq.s32 @!p0 s5, $0x0  }
0x1f: {  	s9 =	smul.u32 $0xF7A, s1;
	s8 =	simm.s32 @!p0 $0x1BF5;
	p2 =	por !p2, p0  }
0x20: {  	[sflag:s8] =	ssyncset.s32 @!p0 $0xFFFFF086;
	s6 =	sadd.s32 @!p0 s3, s7;
	s7 =	simm.s32 @!p0 $0x108  }
0x21: {  	s3 =	sadd.s32 s3, s9;
	s6 =	sadd.s32 @!p0 $0x88, s6;
	s7 =	simm.s32 @p2 $0x1082  }
0x22: {  	[simem:s7], [sflag:s8] =	dma.local @!p0 [hbm:s6], $0xF7A  }
0x23: {  	s9 =	sor.u32 $0xD0000000, s2;
	s6 =	simm.s32 $0x108;
	_ =	swait.ge @!p0 [sflag:s8], $0x0  }
0x24: {  	s3 =	sadd.s32 $0x88, s3;
	s6 =	simm.s32 @!p1 $0x1082;
	[sflag:s4] =	ssyncset.s32 $0xFFFFF086  }
0x25: {  	[simem:s6], [sflag:s4] =	dma.local [hbm:s3], $0xF7A  }
0x26: {  	[smem:$0x3F9F] =	sst s1;
	(tag) =	ssettag s2;
	_ =	strace s9  }
0x27: {  	s1 =	sld [smem:$0x3FAF]  }
0x28: {  	s2 =	sld [smem:$0x3FB0]  }
0x29: {  	s4 =	sld [smem:$0x3FB2]  }
0x2a: {  	p0 =	seq.s32 s5, $0x0;
	s5 =	sld [smem:$0x3FB3]  }
0x2b: {  	s6 =	sld [smem:$0x3FB4]  }
0x2c: {  	s7 =	sld [smem:$0x3FB5]  }
0x2d: {  	s3 =	simm.s32 $0x108;
	s8 =	sld [smem:$0x3FB6]  }
0x2e: {  	s3 =	simm.s32 @!p0 $0x1082;
	s9 =	sld [smem:$0x3FB7]  }
0x2f: {  	lr =	sadd.s32 s0, s3;
	s0 =	sld [smem:$0x3FAE]  }
0x30: {  	s3 =	sld [smem:$0x3FB1]  }
0x31: {  	[smem:$0x3FBA] =	sst s10  }
0x32: {  	s10 =	sld [smem:$0x3FB8];
	_ =	sdelay $0x3  }
0x33: {  	p0 =	seq.s32 s10, $0x1;
	s10 =	sld [smem:$0x3FBA];
	_ =	sdelay $0x3  }
0x34: {  	[smem:$0x3FBA] =	sst s10  }
0x35: {  	s10 =	sld [smem:$0x3FB9];
	_ =	sdelay $0x3  }
0x36: {  	p1 =	seq.s32 s10, $0x1;
	s10 =	sld [smem:$0x3FBA];
	_ =	sdelay $0x3  }
0x37: {  	[smem:$0x3FBA] =	sst s10  }
0x38: {  	s10 =	sld [smem:$0x3FBB]  }
0x39: {  	_ = 	snop;
	(pc) =	sbr.ind lr, $3  }
0x3a: {  	_ = 	snop  }
0x3b: {  	_ = 	snop  }
0x3c: {  	p2 =	seq.s32 s10, $0x1;
	s10 =	sld [smem:$0x3FBA]  }
0x3d: {  	_ =	shalt  }
0x3e: {  	_ =	shalt  }
0x3f: {  	_ =	shalt  }
0x40: {  	_ =	shalt  }
0x41: {  	_ =	shalt  }
0x42: {  	_ =	shalt  }
0x43: {  	_ =	shalt  }
0x44: {  	_ =	shalt  }
0x45: {  	_ =	shalt  }
0x46: {  	_ =	shalt  }
0x47: {  	_ =	shalt  }
0x48: {  	_ =	shalt  }
0x49: {  	_ =	shalt  }
0x4a: {  	_ =	shalt  }
0x4b: {  	_ =	shalt  }
0x4c: {  	_ =	shalt  }
0x4d: {  	_ =	shalt  }
0x4e: {  	_ =	shalt  }
0x4f: {  	_ =	shalt  }
0x50: {  	_ =	shalt  }
0x51: {  	_ =	shalt  }
0x52: {  	_ =	shalt  }
0x53: {  	_ =	shalt  }
0x54: {  	_ =	shalt  }
0x55: {  	_ =	shalt  }
0x56: {  	_ =	shalt  }
0x57: {  	_ =	shalt  }
0x58: {  	_ =	shalt  }
0x59: {  	_ =	shalt  }
0x5a: {  	_ =	shalt  }
0x5b: {  	_ =	shalt  }
0x5c: {  	_ =	shalt  }
0x5d: {  	_ =	shalt  }
0x5e: {  	_ =	shalt  }
0x5f: {  	_ =	shalt  }
0x60: {  	_ =	shalt  }
0x61: {  	_ =	shalt  }
0x62: {  	_ =	shalt  }
0x63: {  	_ =	shalt  }
0x64: {  	_ =	shalt  }
0x65: {  	_ =	shalt  }
0x66: {  	_ =	shalt  }
0x67: {  	_ =	shalt  }
0x68: {  	_ =	shalt  }
0x69: {  	_ =	shalt  }
0x6a: {  	_ =	shalt  }
0x6b: {  	_ =	shalt  }
0x6c: {  	_ =	shalt  }
0x6d: {  	_ =	shalt  }
0x6e: {  	_ =	shalt  }
0x6f: {  	_ =	shalt  }
0x70: {  	_ =	shalt  }
0x71: {  	_ =	shalt  }
0x72: {  	_ =	shalt  }
0x73: {  	_ =	shalt  }
0x74: {  	_ =	shalt  }
0x75: {  	_ =	shalt  }
0x76: {  	_ =	shalt  }
0x77: {  	_ =	shalt  }
0x78: {  	_ =	shalt  }
0x79: {  	_ =	shalt  }
0x7a: {  	_ =	shalt  }
0x7b: {  	_ =	shalt  }
0x7c: {  	_ =	shalt  }
0x7d: {  	_ =	shalt  }
0x7e: {  	_ =	shalt  }
0x7f: {  	_ =	shalt  }
0x80: {  	_ =	shalt  }
0x81: {  	_ =	shalt  }
0x82: {  	_ =	shalt  }
0x83: {  	_ =	shalt  }
0x84: {  	_ =	shalt  }
0x85: {  	_ =	shalt  }
0x86: {  	_ =	shalt  }
0x87: {  	_ =	shalt  }
.Lfunc_end0:
.L_simem_size_0:
called_computation_lowered:
.L_overlay_start_0:
0x88: {  	s2 =	sld [smem:$0x3FD9]  }
0x89: {  	s3 =	sld [smem:$0x3FFE];
	_ =	sdelay $0x1  }
0x8a: {  	s1 =	srdreg.scid  }
0x8b: {  	s0 =	sand.u32 $0x1, s1  }
0x8c: {  	s17 =	sshll.u32 s0, $0xA;
	s2 =	sadd.s32 s3, s2  }
0x8d: {  	s2 =	sadd.s32 s2, s17  }
0x8e: {  	[smem:$0x3FC6] =	sst s2  }
0x8f: {  	_ = 	snop  }
0x90: {  	s2 =	sld [smem:$0x3FD0];
	(tm) =	ssettm $0x1  }
0x91: {  	s18 =	sld [smem:$0x3FFB];
	_ =	sdelay $0x3  }
0x92: {  	_ =	strace s18  }
0x93: {  	s3 =	sld [smem:$0x3FFC];
	_ =	sdelay $0x3  }
0x94: {  	_ =	strace s3  }
0x95: {  	s3 =	sld [smem:$0x3FFD];
	_ =	sdelay $0x3  }
0x96: {  	_ =	strace s3  }
0x97: {  	_ =	strace $0x8FFFFFFF  }
0x98: {  	s19 =	sld [smem:$0x3FDB];
	_ =	sdelay $0x1  }
0x99: {  	s4 =	simm.s32 $_scs_section_size  }
0x9a: {  	s5 =	simm.s32 $_size__tile_overlayer_lowered;
	s6 =	simm.s32 $_tile_overlayer_lowered  }
0x9b: {  	s22 =	simm.s32 $0x1BFF;
	s21 =	sshll.u32 s6, $0x1;
	s3 =	sadd.s32 s4, s19  }
0x9c: {  	s7 =	simm.s32 $0x0;
	s20 =	sshll.u32 s5, $0x1;
	s5 =	sadd.s32 s21, s3  }
0x9d: {  	[timem:s7], [sflag:s22] =	dma.local [hbm:s5], s20  }
0x9e: {  	_ =	swait.ge [sflag:s22], s20  }
0x9f: {  	s4 =	ssub.s32 $0x0, s20;
	[sflag:s22] =	ssyncset.done $0x0  }
0xa0: {  	[sflag:s22] =	ssyncadd.s32 s4;
	_ =	sdelay $0x1  }
0xa1: {  	s23 =	simm.s32 $0x1B8B  }
0xa2: {  	_ =	swait.ge [sflag:s23], $0x1  }
0xa3: {  	[sflag:s23] =	ssyncset.done $0x0  }
0xa4: {  	s25 =	simm.s32 $0x1B8E;
	s24 =	sld [smem:$0x3FFE];
	[sflag:s23] =	ssyncadd.s32 $0xFFFFFFFF  }
0xa5: {  	s26 =	simm.s32 $execute0_lowered;
	[smem:$0x3FD2] =	sst s25  }
0xa6: {  	s5 =	sshll.u32 s26, $0x1;
	_ =	strace $0x80000046;
	[dreg:$0x1] =	wrdreg $0xFFFFFFFF  }
0xa7: {  	s28 =	simm.s32 $_size_execute0_lowered;
	s3 =	sadd.s32 s3, s5;
	[dreg:$0x0] =	wrdreg $0x0  }
0xa8: {  	s5 =	sshll.u32 s28, $0x1;
	[dreg:$0x2] =	wrdreg s3  }
0xa9: {  	[dreg:$0x3] =	wrdreg s5  }
0xaa: {  	[dreg:$0x4] =	wrdreg $0xC0  }
0xab: {  	_ =	task [dreg:s7], $0x5FFFF  }
0xac: {  	[dreg:$0x1] =	wrdreg $0xFFFFFFFF  }
0xad: {  	[dreg:$0x0] =	wrdreg $0x60  }
0xae: {  	[dreg:$0x2] =	wrdreg s24  }
0xaf: {  	[dreg:$0x3] =	wrdreg s2  }
0xb0: {  	[dreg:$0x4] =	wrdreg $0x9  }
0xb1: {  	_ =	task.clear_ibuf [dreg:s7], $0x5FFFF;
	_ =	strace $0x90000046  }
0xb2: {  	s29 =	simm.s32 $0x9;
	_ =	strace $0x80000048  }
0xb3: {  	_ =	swait.ge [sflag:s29], $0x1  }
0xb4: {  	[sflag:s29] =	ssyncadd.s32 $0xFFFFFFFF  }
0xb5: {  	_ =	strace $0x90000048  }
0xb6: {  	_ =	sfence  }
0xb7: {  	s30 =	sld [smem:$0x0];
	_ =	sdelay $0x2  }
0xb8: {  	s31 =	sshll.u32 s1, $0xD;
	s1 =	sshrl.u32 s1, $0x2  }
0xb9: {  	s3 =	sand.u32 $0x4000, s31;
	s1 =	sadd.s32 s1, s30  }
0xba: {  	s0 =	sor.u32 s3, s0;
	s1 =	sshll.u32 s1, $0x11  }
0xbb: {  	s0 =	sor.u32 s1, s0  }
0xbc: {  	s0 =	sadd.s32 $0x8F2B, s0  }
0xbd: {  	[sflag:s0] =	ssyncadd.remote.s32 $0x1  }
0xbe: {  	_ =	sfence.sel $0xFFFF  }
0xbf: {  	[dreg:$0x0] =	wrdreg $0xFFFFFFFF;
	(pc) =	sbr.abs _section_cstart, $3  }
0xc0: {  	[dreg:$0x1] =	wrdreg $0xFFFFFFFF  }
0xc1: {  	_ =	task.clear_ibuf [dreg:s7], $0x2FFFF;
	_ =	strace $0x9FFFFFFF  }
0xc2: {  	(tm) =	ssettm $0x7FFFFFFF  }
0xc3: {  	_ =	shalt  }
tec
execute0_lowered:
.L_overlay_start_1:
0x0: {  	(tag) =	ssettag $0x1  }
0x1: {  	s5 =	rddreg [dreg:$0x0];
	s1 =	srdreg.scid  }
0x2: {  	s0 =	stileid.u32;
	s2 =	rddreg [dreg:$0x1];
	s3 =	simm.s32 $0x0  }
0x3: {  	s8 =	simm.s32 $0x1;
	s10 =	simm.s32 $0x2000;
	s11 =	simm.s32 $0x4000  }
0x4: {  	s12 =	simm.s32 $0xC000;
	s6 =	sand.u32 $0x1, s1;
	s4 =	sshll.u32 s0, $0x1  }
0x5: {  	s13 =	simm.s32 $0x6000;
	s14 =	simm.s32 $0xE000;
	s7 =	sor.u32 s6, s4  }
0x6: {  	s15 =	simm.s32 $0x8000;
	p1 =	seq.s32 s6, $0x1;
	p0 =	seq.s32 s7, $0x0  }
0x7: {  	s16 =	simm.s32 $0x10000;
	s17 =	simm.s32 $0xA000;
	p0 =	por !p0, !p1  }
0x8: {  	s19 =	simm.s32 $0x18000;
	[smem:$0x7FF] =	sst s3;
	p0 =	por !p0, !p0  }
0x9: {  	s20 =	simm.s32 $0x0;
	_ =	strace $0x80000047;
	s8 =	simm.s32 @!p0 $0x0  }
0xa: {  	v0 =	vlaneseq.u32;
	s4 =	sadd.s32 $0x24D8600, s5;
	s6 =	ssub.s32 $0x2, s6;
	s8 =	ssub.s32 s0, s8  }
0xb: {  	v0 =	vmul.u32 $0x2, v0;
	s5 =	sadd.s32 $0x2400600, s5;
	s9 =	sshrl.u32 s6, $0x1;
	s18 =	smul.u32 $0x24000, s8  }
0xc: {  	s9 =	ssub.s32 s6, s9;
	s6 =	smul.u32 $0x12000, s7;
	s7 =	simm.s32 $0x1  }
0xd: {  	v2 =	vor.u32 $0x1, v0;
	s8 =	smax.u32 s9, $0x1;
	s9 =	simm.s32 $0x2;
	v1 =	vmov s18;
	s18 =	simm.s32 $0x12000  }
.LBB2_1:
0xe: {  	s21 =	simm.s32 $0x0  }
.LBB2_2:
0xf: {  	s22 =	sshll.u32 s21, $0xD  }
0x10: {  	s22 =	sadd.s32 s6, s22  }
0x11: {  	s24 =	simm.s32 $0x0;
	s23 =	sshrl.u32 s22, $0x2  }
0x12: {  	v3 =	vor.u32 s24, v2;
	s23 =	sadd.s32 s4, s23  }
0x13: {  	[tilespmem:s24], [sflag:$0x2] =	stream.linear.gather [hbm4b:s23+s24], $0x4000, $0x38;
	[tilespmem:$0x1A000] =	vst v63  }
0x14: {  	_ =	swait.ge [sflag:s9], $0x4000  }
0x15: {  	v4 =	vor.u32 s24, v0;
	[sflag:s9] =	ssyncset.done $0x0  }
0x16: {  	[sflag:s9] =	ssyncadd.s32 $0xFFFFC000  }
0x17: {  	v3 =	vld.idx.msk [tilespmem:v3+s3+$0x0], $0xffff;
	_ =	sdelay $0x2  }
0x18: {  	v4 =	vld.idx.msk [tilespmem:v4+s3+$0x0], $0xffff;
	_ =	sdelay $0x1  }
0x19: {  	v5 =	vtrunc.f32 v3  }
0x1a: {  	v5 =	vcvt.f32.s32 v5;
	_ =	sdelay $0x1  }
0x1b: {  	v6 =	vtrunc.f32 v4;
	vm0 =	vlt.s32 v5, $0x17F;
	v7 =	vadd.s32 $0x1, v5  }
0x1c: {  	v6 =	vcvt.f32.s32 v6;
	v8 =	vnsel vm0, $0x17F, v5;
	vm13 =	vlt.s32 v7, $0x17F  }
0x1d: {  	v8 =	vmul.u32 $0x180, v8;
	v7 =	vnsel vm13, $0x17F, v7  }
0x1e: {  	vm14 =	vlt.s32 v6, $0x17F;
	v7 =	vmul.u32 $0x180, v7  }
0x1f: {  	v9 =	vadd.s32 $0x1, v6;
	v10 =	vnsel vm14, $0x17F, v6;
	v8 =	vadd.s32 v1, v8  }
0x20: {  	s23 =	simm.s32 $0x4000;
	vm15 =	vlt.s32 v9, $0x17F;
	v7 =	vadd.s32 v1, v7;
	v11 =	vadd.s32 v10, v8  }
0x21: {  	s24 =	simm.s32 $0x6000;
	v6 =	vcvt.s32.f32 v6;
	v9 =	vnsel vm15, $0x17F, v9;
	[tilespmem:s23+$0x0] =	vst v11;
	v10 =	vadd.s32 v10, v7  }
0x22: {  	s25 =	simm.s32 $0x8000;
	v5 =	vcvt.s32.f32 v5;
	v8 =	vadd.s32 v9, v8;
	[tilespmem:s24+$0x0] =	vst v10  }
0x23: {  	s26 =	simm.s32 $0xA000;
	s29 =	simm.s32 $0x20;
	v6 =	vsub.f32 v4, v6;
	v4 =	vadd.s32 v9, v7;
	[tilespmem:s25+$0x0] =	vst v8  }
0x24: {  	s28 =	simm.s32 $0x14000;
	[tilespmem:s26+$0x0] =	vst v4;
	v4 =	vsub.f32 v3, v5;
	v3 =	vor.u32 s29, v2  }
0x25: {  	s30 =	simm.s32 $0x16000;
	s31 =	simm.s32 $0x40;
	s25 =	simm.s32 $0x16010  }
0x26: {  	v5 =	vor.u32 s29, v0;
	s29 =	simm.s32 $0x8010;
	s26 =	simm.s32 $0xA010;
	[tilespmem:s28+$0x0] =	vst v6;
	s28 =	simm.s32 $0x14010  }
.LBB2_3:
0x27: {  	s23 =	sadd.s32 $0x10, s23;
	s24 =	sadd.s32 $0x10, s24  }
0x28: {  	[tilespmem:s30+$0x0] =	vst v4;
	s1 =	smov.u32 s31;
	s0 =	sadd.s32 $0x20, s31;
	s30 =	smov.u32 s25  }
0x29: {  	p0 =	sne.s32 s31, $0x3FE0;
	v3 =	vld.idx.msk [tilespmem:v3+s3+$0x0], $0xffff;
	_ =	sdelay $0x2  }
0x2a: {  	v5 =	vld.idx.msk [tilespmem:v5+s3+$0x0], $0xffff;
	_ =	sdelay $0x2  }
0x2b: {  	v4 =	vtrunc.f32 v3  }
0x2c: {  	v4 =	vcvt.f32.s32 v4;
	_ =	sdelay $0x1  }
0x2d: {  	v6 =	vtrunc.f32 v5;
	vm0 =	vlt.s32 v4, $0x17F;
	v7 =	vadd.s32 $0x1, v4  }
0x2e: {  	v6 =	vcvt.f32.s32 v6;
	v8 =	vnsel vm0, $0x17F, v4;
	vm0 =	vlt.s32 v7, $0x17F  }
0x2f: {  	v4 =	vcvt.s32.f32 v4;
	v8 =	vmul.u32 $0x180, v8;
	v7 =	vnsel vm0, $0x17F, v7  }
0x30: {  	vm0 =	vlt.s32 v6, $0x17F;
	v9 =	vadd.s32 $0x1, v6;
	v7 =	vmul.u32 $0x180, v7  }
0x31: {  	v10 =	vnsel vm0, $0x17F, v6;
	vm0 =	vlt.s32 v9, $0x17F;
	v8 =	vadd.s32 v1, v8  }
0x32: {  	v6 =	vcvt.s32.f32 v6;
	v7 =	vadd.s32 v1, v7;
	v11 =	vadd.s32 v10, v8  }
.Ltmp0:
0x33: {  	v4 =	vsub.f32 v3, v4;
	v9 =	vnsel vm0, $0x17F, v9;
	v10 =	vadd.s32 v10, v7;
	[tilespmem:s23+$0x0] =	vst v11;
	(pc) =	sbr.rel @p0 .LBB2_3-.Ltmp0, $4  }
0x34: {  	v3 =	vor.u32 s1, v2;
	v6 =	vsub.f32 v5, v6;
	v5 =	vadd.s32 v9, v8;
	[tilespmem:s24+$0x0] =	vst v10  }
0x35: {  	[tilespmem:s29+$0x0] =	vst v5;
	v5 =	vadd.s32 v9, v7  }
0x36: {  	s25 =	sadd.s32 $0x10, s25;
	s31 =	smov.u32 s0;
	[tilespmem:s26+$0x0] =	vst v5  }
0x37: {  	s29 =	sadd.s32 $0x10, s29;
	v5 =	vor.u32 s1, v0;
	s26 =	sadd.s32 $0x10, s26;
	[tilespmem:s28+$0x0] =	vst v6;
	s28 =	sadd.s32 $0x10, s28  }
0x38: {  	_ =	sdelay $0x2  }
0x39: {  	[tilespmem:s30+$0x0] =	vst v4  }
0x3a: {  	v3 =	vld.idx.msk [tilespmem:v3+s3+$0x0], $0xffff;
	_ =	sdelay $0x2  }
0x3b: {  	v4 =	vld.idx.msk [tilespmem:v5+s3+$0x0], $0xffff;
	_ =	sdelay $0x1  }
0x3c: {  	v5 =	vtrunc.f32 v3  }
0x3d: {  	v5 =	vcvt.f32.s32 v5;
	_ =	sdelay $0x1  }
0x3e: {  	v6 =	vtrunc.f32 v4;
	vm0 =	vlt.s32 v5, $0x17F;
	v7 =	vadd.s32 $0x1, v5  }
0x3f: {  	v6 =	vcvt.f32.s32 v6;
	v8 =	vnsel vm0, $0x17F, v5;
	vm13 =	vlt.s32 v7, $0x17F  }
0x40: {  	v8 =	vmul.u32 $0x180, v8;
	v7 =	vnsel vm13, $0x17F, v7  }
0x41: {  	vm14 =	vlt.s32 v6, $0x17F;
	v7 =	vmul.u32 $0x180, v7  }
0x42: {  	v9 =	vadd.s32 $0x1, v6;
	v10 =	vnsel vm14, $0x17F, v6;
	v8 =	vadd.s32 v1, v8  }
0x43: {  	s0 =	sadd.s32 $0x10, s23;
	vm15 =	vlt.s32 v9, $0x17F;
	v7 =	vadd.s32 v1, v7;
	v11 =	vadd.s32 v10, v8  }
0x44: {  	s1 =	sadd.s32 $0x10, s24;
	v6 =	vcvt.s32.f32 v6;
	v9 =	vnsel vm15, $0x17F, v9;
	[tilespmem:s0+$0x0] =	vst v11;
	v10 =	vadd.s32 v10, v7  }
0x45: {  	v5 =	vcvt.s32.f32 v5;
	v8 =	vadd.s32 v9, v8;
	[tilespmem:s1+$0x0] =	vst v10  }
0x46: {  	v4 =	vsub.f32 v4, v6;
	v6 =	vadd.s32 v9, v7;
	[tilespmem:s29+$0x0] =	vst v8  }
0x47: {  	v3 =	vsub.f32 v3, v5;
	[tilespmem:s26+$0x0] =	vst v6  }
0x48: {  	[tilespmem:s28+$0x0] =	vst v4  }
0x49: {  	[tilespmem:s25+$0x0] =	vst v3  }
0x4a: {  	[tilespmem:s12], [sflag:$0x1] =	stream.indirect.gather [hbm4b:s5+s10], $0x1, s11, s10, $0xb8;
	[tilespmem:$0x1A000] =	vst v63  }
0x4b: {  	_ = 	snop  }
0x4c: {  	[tilespmem:s14], [sflag:$0x1] =	stream.indirect.gather [hbm4b:s5+s10], $0x1, s13, s10, $0xb8;
	[tilespmem:$0x1A000] =	vst v63  }
0x4d: {  	_ = 	snop  }
0x4e: {  	[tilespmem:s16], [sflag:$0x1] =	stream.indirect.gather [hbm4b:s5+s10], $0x1, s15, s10, $0xb8;
	[tilespmem:$0x1A000] =	vst v63  }
0x4f: {  	_ = 	snop  }
0x50: {  	[tilespmem:s18], [sflag:$0x1] =	stream.indirect.gather [hbm4b:s5+s10], $0x1, s17, s10, $0xb8;
	[tilespmem:$0x1A000] =	vst v63  }
0x51: {  	_ =	swait.ge [sflag:s7], $0x2000  }
0x52: {  	[sflag:s7] =	ssyncset.done $0x0  }
0x53: {  	[sflag:s7] =	ssyncadd.s32 $0xFFFFE000  }
0x54: {  	_ =	swait.ge [sflag:s7], $0x2000  }
0x55: {  	[sflag:s7] =	ssyncset.done $0x0  }
0x56: {  	[sflag:s7] =	ssyncadd.s32 $0xFFFFE000  }
0x57: {  	_ =	swait.ge [sflag:s7], $0x2000  }
0x58: {  	[sflag:s7] =	ssyncset.done $0x0  }
0x59: {  	[sflag:s7] =	ssyncadd.s32 $0xFFFFE000  }
0x5a: {  	_ =	swait.ge [sflag:s7], $0x2000  }
0x5b: {  	[sflag:s7] =	ssyncset.done $0x0  }
0x5c: {  	s23 =	simm.s32 $0x0;
	[sflag:s7] =	ssyncadd.s32 $0xFFFFE000  }
0x5d: {  	v3 =	vld [tilespmem:s23+$0x14000]  }
0x5e: {  	v4 =	vld [tilespmem:s23+$0x16000]  }
0x5f: {  	v5 =	vld [tilespmem:s23+$0xC000]  }
0x60: {  	v6 =	vld [tilespmem:s23+$0xE000]  }
0x61: {  	v7 =	vld [tilespmem:s23+$0x10000]  }
0x62: {  	s24 =	simm.s32 $0x10;
	v10 =	vld [tilespmem:s23+$0x12000]  }
0x63: {  	v11 =	vld [tilespmem:s24+$0x14000];
	v9 =	vsub.f32 $1.000000000e+00, v3;
	v12 =	vsub.f32 $1.000000000e+00, v4  }
0x64: {  	v13 =	vld [tilespmem:s24+$0x16000]  }
0x65: {  	v15 =	vld [tilespmem:s24+$0xC000];
	v16 =	vmul.f32 v4, v3;
	v14 =	vmul.f32 v12, v9  }
0x66: {  	v8 =	vld [tilespmem:s24+$0xE000];
	v4 =	vmul.f32 v4, v9;
	v3 =	vmul.f32 v12, v3  }
0x67: {  	v63 =	vld [tilespmem:s24+$0x12000];
	v10 =	vmul.f32 v16, v10;
	v5 =	vmul.f32 v14, v5  }
0x68: {  	s25 =	simm.s32 $0x20;
	v9 =	vld [tilespmem:s24+$0x10000];
	v6 =	vmul.f32 v4, v6;
	v7 =	vmul.f32 v3, v7  }
0x69: {  	v12 =	vsub.f32 $1.000000000e+00, v11;
	v3 =	vld [tilespmem:s25+$0x14000];
	v14 =	vsub.f32 $1.000000000e+00, v13  }
0x6a: {  	v4 =	vld [tilespmem:s25+$0x16000];
	v17 =	vadd.f32 v5, v6;
	v7 =	vadd.f32 v7, v10  }
0x6b: {  	v18 =	vmul.f32 v13, v11;
	v5 =	vld [tilespmem:s25+$0xC000];
	v10 =	vmul.f32 v14, v12  }
0x6c: {  	v13 =	vmul.f32 v13, v12;
	v6 =	vld [tilespmem:s25+$0xE000];
	v14 =	vmul.f32 v14, v11;
	v12 =	vadd.f32 v7, v17  }
0x6d: {  	s26 =	simm.s32 $0xC0;
	v11 =	vmul.f32 v18, v63;
	v7 =	vld [tilespmem:s25+$0x10000];
	v10 =	vmul.f32 v10, v15  }
.LBB2_5:
0x6e: {  	v15 =	vld [tilespmem:s25+$0x12000];
	[tilespmem:s23+$0x18000] =	vst v12;
	s23 =	smov.u32 s24  }
0x6f: {  	v19 =	vmul.f32 v13, v8;
	v9 =	vmul.f32 v14, v9;
	v12 =	vmov v3;
	s24 =	smov.u32 s25;
	s25 =	sshra.s32 s26, $0x2;
	p0 =	sne.s32 s26, $0x7FC0  }
.Ltmp1:
0x70: {  	v3 =	vld [tilespmem:s25+$0x14000];
	v13 =	vsub.f32 $1.000000000e+00, v12;
	v14 =	vsub.f32 $1.000000000e+00, v4;
	v16 =	vmov v4;
	(pc) =	sbr.rel @p0 .LBB2_5-.Ltmp1, $4  }
0x71: {  	s26 =	sadd.s32 $0x40, s26;
	v4 =	vld [tilespmem:s25+$0x16000];
	v10 =	vadd.f32 v10, v19;
	v19 =	vadd.f32 v9, v11;
	v11 =	vmov v5  }
0x72: {  	v18 =	vmul.f32 v16, v12;
	v5 =	vld [tilespmem:s25+$0xC000];
	v17 =	vmul.f32 v14, v13;
	v8 =	vmov v6  }
0x73: {  	v13 =	vmul.f32 v16, v13;
	v14 =	vmul.f32 v14, v12;
	v6 =	vld [tilespmem:s25+$0xE000];
	v12 =	vadd.f32 v19, v10;
	v9 =	vmovc v7  }
0x74: {  	v7 =	vld [tilespmem:s25+$0x10000];
	v10 =	vmul.f32 v17, v11;
	v11 =	vmul.f32 v18, v15  }
0x75: {  	_ = 	snop  }
0x76: {  	v15 =	vld [tilespmem:s25+$0x12000];
	v16 =	vsub.f32 $1.000000000e+00, v3;
	v17 =	vsub.f32 $1.000000000e+00, v4  }
0x77: {  	v8 =	vmul.f32 v13, v8;
	v9 =	vmul.f32 v14, v9  }
0x78: {  	v59 =	vmul.f32 v4, v16;
	v57 =	vmul.f32 v17, v16  }
0x79: {  	v58 =	vmul.f32 v4, v3;
	v3 =	vmul.f32 v17, v3  }
0x7a: {  	v4 =	vmul.f32 v59, v6;
	v5 =	vmul.f32 v57, v5  }
0x7b: {  	v60 =	vmul.f32 v58, v15;
	v3 =	vmul.f32 v3, v7  }
0x7c: {  	v61 =	vadd.f32 v10, v8;
	v62 =	vadd.f32 v9, v11  }
0x7d: {  	v4 =	vadd.f32 v5, v4;
	v3 =	vadd.f32 v3, v60  }
0x7e: {  	v63 =	vadd.f32 v62, v61  }
0x7f: {  	[tilespmem:s23+$0x18000] =	vst v12;
	s21 =	sadd.s32 $0x1, s21;
	v3 =	vadd.f32 v3, v4  }
0x80: {  	s0 =	sshrl.u32 s22, $0x3;
	p0 =	sne.s32 s21, $0x9;
	[tilespmem:s24+$0x18000] =	vst v63  }
.Ltmp2:
0x81: {  	s0 =	sadd.s32 s2, s0;
	[tilespmem:s25+$0x18000] =	vst v3;
	(pc) =	sbr.rel @p0 .LBB2_2-.Ltmp2, $4  }
0x82: {  	[hbm4b:s0+s3] =	stream.linear.scatter [tilespmem:s19], [sflag:$0x2], $0x2000, $0x38;
	[tilespmem:$0x1A000] =	vst v63  }
0x83: {  	_ =	swait.ge [sflag:s9], $0x2000  }
0x84: {  	[sflag:s9] =	ssyncset.done $0x0  }
0x85: {  	[sflag:s9] =	ssyncadd.s32 $0xFFFFE000  }
0x86: {  	s20 =	sadd.s32 $0x1, s20  }
0x87: {  	p0 =	sne.s32 s20, s8  }
.Ltmp3:
0x88: {  	_ = 	snop;
	(pc) =	sbr.rel @p0 .LBB2_1-.Ltmp3, $1  }
0x89: {  	_ =	sdelay $0x3  }
0x8a: {  	_ =	sfence.sel $0x180000  }
0x8b: {  	[bflag:$0x0] =	sbarrier.arrive $0xFFFF  }
0x8c: {  	_ =	strace $0x90000047  }
0x8d: {  	s0 =	stileid.u32;
	[bflag:$0x2] =	sbarrier.arrive $0xFFFF  }
0x8e: {  	p0 =	sne.s32 s0, $0x0;
	s0 =	rddreg [dreg:$0x2]  }
0x8f: {  	s0 =	sadd.s32 @!p0 $0x100000, s0  }
0x90: {  	[sflag:s0] =	ssyncadd.tile.s32 @!p0 $0x1;
	_ =	shalt  }
.Lfunc_end2:
_tile_overlayer_lowered:
.L_overlay_start_2:
0x91: {  	(tag) =	ssettag $0x2  }
0x92: {  	s0 =	rddreg [dreg:$0x0];
	s2 =	stileid.u32  }
0x93: {  	s1 =	rddreg [dreg:$0x1];
	p0 =	sne.s32 s2, $0x0  }
0x94: {  	s3 =	rddreg [dreg:$0x2];
	[bflag:$0x3] =	sbarrier.arrive $0xFFFF;
	s2 =	simm.s32 @!p0 $0x1C02  }
0x95: {  	[timem:s3], [sflag:s2] =	dma.local @!p0 [hbm:s0], s1  }
0x96: {  	s0 =	simm.s32 @!p0 $0x2  }
0x97: {  	_ =	swait.ge @!p0 [sflag:s0], s1  }
0x98: {  	s1 =	ssub.s32 @!p0 $0x0, s1;
	[sflag:s0] =	ssyncset.done @!p0 $0x0  }
0x99: {  	[sflag:s0] =	ssyncadd.s32 @!p0 s1  }
0x9a: {  	[bflag:$0x3] =	sbarrier.arrive $0xFFFF  }
0x9b: {  	_ =	shalt  }

</sc_bundles>
